<compile_context>
chip_gen: v7x
topology: tpu7x:2x2x1
jax: 0.10.2.dev20260603
libtpu: 0.0.44.dev20260713+nightly
codegen_flags: <defaults>
</compile_context>

<pallas_src>
import functools

import jax
import jax.numpy as jnp
from jax import lax
from jax.experimental import pallas as pl
from jax.experimental.pallas import tpu as pltpu
from jax.experimental.pallas import tpu_sc as plsc


@functools.lru_cache
def _make_sc_gather_p(B, C):
    info = plsc.get_sparse_core_info()
    nc, ns, nl = info.num_cores, info.num_subcores, info.num_lanes
    nw = nc * ns
    cols_per_w = B // nw

    @functools.partial(
        pl.kernel,
        mesh=plsc.VectorSubcoreMesh(core_axis_name="c", subcore_axis_name="s"),
        out_type=jax.ShapeDtypeStruct((B,), jnp.float32),
        scratch_types=[
            pltpu.VMEM((C, cols_per_w), jnp.float32),
            pltpu.VMEM((cols_per_w,), jnp.int32),
            pltpu.VMEM((cols_per_w,), jnp.float32),
        ],
        compiler_params=pltpu.CompilerParams(
            use_tc_tiling_on_sc=True, needs_layout_passes=False
        ),
    )
    def sc_gather(phi_hbm, labels_hbm, out_hbm, buf, lab_v, p_v):
        wid = lax.axis_index("s") * nc + lax.axis_index("c")
        base = wid * cols_per_w
        pltpu.sync_copy(labels_hbm.at[pl.ds(base, cols_per_w)], lab_v)
        pltpu.sync_copy(phi_hbm.at[:, pl.ds(base, cols_per_w)], buf)
        for g in range(cols_per_w // nl):
            l = lab_v[pl.ds(g * nl, nl)]
            cvec = g * nl + lax.iota(jnp.int32, nl)
            p_v[pl.ds(g * nl, nl)] = plsc.load_gather(buf, [l, cvec])
        pltpu.sync_copy(p_v, out_hbm.at[pl.ds(base, cols_per_w)])

    return sc_gather


@functools.lru_cache
def _make_tc_stats(B, C, bs):
    nblk = B // bs

    def body(cos_ref, lbl_ref, m_ref, s_ref, c_ref):
        cos = cos_ref[...]
        lbl = lbl_ref[...]
        mask = lax.broadcasted_iota(jnp.int32, (C, bs), 0) == lbl
        m = jnp.max(cos, axis=0, keepdims=True)
        m_ref[...] = m
        s_ref[...] = jnp.sum(jnp.exp(cos - m), axis=0, keepdims=True)
        c_ref[...] = jnp.sum(jnp.where(mask, cos, 0.0), axis=0, keepdims=True)

    return pl.pallas_call(
        body,
        grid=(nblk,),
        in_specs=[
            pl.BlockSpec((C, bs), lambda i: (0, i)),
            pl.BlockSpec((1, bs), lambda i: (0, i)),
        ],
        out_specs=[pl.BlockSpec((1, bs), lambda i: (0, i))] * 3,
        out_shape=[jax.ShapeDtypeStruct((1, B), jnp.float32)] * 3,
    )


@functools.lru_cache
def _make_tc_finalize(B):
    def body(m_ref, s_ref, c_ref, p_ref, out_ref):
        m = m_ref[...]
        s = s_ref[...]
        c = c_ref[...]
        p = p_ref[...].reshape(1, B)
        m2 = jnp.maximum(m, p)
        s2 = s * jnp.exp(m - m2) - jnp.exp(c - m2) + jnp.exp(p - m2)
        nll = m2 + jnp.log(s2) - p
        out_ref[...] = jnp.sum(nll, keepdims=True) / B

    return pl.pallas_call(
        body, out_shape=jax.ShapeDtypeStruct((1, 1), jnp.float32)
    )


def kernel(cos_theta, phi_theta, labels):
    B, C = cos_theta.shape
    p = _make_sc_gather_p(B, C)(phi_theta.T, labels)
    m, s, c = _make_tc_stats(B, C, 1024)(cos_theta.T, labels.reshape(1, B))
    out = _make_tc_finalize(B)(m, s, c, p)
    return out[0, 0]

# --- scband reference (transcript-rebuilt; emitter-appended) ---
"""Pipeline reference for scband-cus-angle-loss-66254165508769 (READ-ONLY COPY).

The authoritative reference and input builder live on the scoring server;
editing this copy changes nothing except your own understanding.
"""

import jax, jax.numpy as jnp
import numpy as np


def setup_inputs(seed: int = 0) -> dict:
    key = jax.random.key(seed)
    k1, k2, k3 = jax.random.split(key, 3)
    B, C = 4096, 1000
    cos_theta = jax.random.normal(k1, (B, C), dtype=jnp.float32)
    phi_theta = jax.random.normal(k2, (B, C), dtype=jnp.float32)
    labels = jax.random.randint(k3, (B,), 0, C, dtype=jnp.int32)
    return {"cos_theta": cos_theta, "phi_theta": phi_theta, "labels": labels}


def reference(cos_theta, phi_theta, labels):
    # input = (cos_theta, phi_theta); at target class positions the logit is
    # replaced by phi_theta (output = cos - cos*(1+0) + phi*(1+0) = phi),
    # elsewhere it stays cos_theta. Then standard cross entropy.
    B, C = cos_theta.shape
    onehot = jax.nn.one_hot(labels, C, dtype=jnp.bool_)
    output = jnp.where(onehot, phi_theta, cos_theta)
    log_probs = output - jax.scipy.special.logsumexp(output, axis=1, keepdims=True)
    nll = -jnp.take_along_axis(log_probs, labels[:, None].astype(jnp.int32), axis=1)[:, 0]
    loss = jnp.mean(nll)
    return loss

if __name__ == "__main__":
    import jax
    _d = setup_inputs()
    print(jax.jit(kernel)(*tuple(_d.values())))

</pallas_src>

<mosaic_0001>
#map = affine_map<(d0, d1) -> (0, 0)>
#map1 = affine_map<(d0, d1) -> (0)>
module attributes {stable_mosaic.version = 14 : i64} {
  func.func @sc_gather(%arg0: i32, %arg1: i32, %arg2: memref<1000x4096xf32, #tpu.memory_space<hbm>>, %arg3: memref<4096xi32, #tpu.memory_space<hbm>>, %arg4: memref<4096xf32, #tpu.memory_space<hbm>>, %arg5: memref<1000x128xf32, #tpu.memory_space<vmem>>, %arg6: memref<128xi32, #tpu.memory_space<vmem>>, %arg7: memref<128xf32, #tpu.memory_space<vmem>>) attributes {dimension_semantics = [#tpu.dimension_semantics<core_parallel>, #tpu.dimension_semantics<subcore_parallel>], iteration_bounds = array<i64: 2, 16>, scalar_prefetch = 0 : i64, scratch_operands = 3 : i64, tpu.core_type = #tpu.core_type<sc_vector_subcore>, window_params = [{transform_indices = #map}, {transform_indices = #map1}, {transform_indices = #map1}]} {
    %mul3A = arith.constant 2 : i32
    %mul3A_0 = arith.muli %arg1, %mul3A : i32
    %add3A = arith.addi %mul3A_0, %arg0 : i32
    %mul3A_1 = arith.constant 128 : i32
    %mul3A_2 = arith.muli %add3A, %mul3A_1 : i32
    "tpu.region"() ({
      %run_scoped3A = tpu.sem_alloc : memref<!tpu.dma_semaphore, #tpu.memory_space<semaphore_mem>>
      %dma_start3A = tpu.memref_slice %arg3[%mul3A_2] : memref<4096xi32, #tpu.memory_space<hbm>> -> memref<128xi32, #tpu.memory_space<hbm>>
      %dma_start3A_71 = tpu.memref_slice %arg3[%mul3A_2] : memref<4096xi32, #tpu.memory_space<hbm>> -> memref<128xi32, #tpu.memory_space<hbm>>
      tpu.enqueue_dma source(%dma_start3A_71 : memref<128xi32, #tpu.memory_space<hbm>>) target(%arg6 : memref<128xi32, #tpu.memory_space<vmem>>) target_semaphore(%run_scoped3A : memref<!tpu.dma_semaphore, #tpu.memory_space<semaphore_mem>>)
      %dma_wait3A = tpu.memref_slice %arg3[%mul3A_2] : memref<4096xi32, #tpu.memory_space<hbm>> -> memref<128xi32, #tpu.memory_space<hbm>>
      %dma_wait3A_72 = tpu.memref_slice %arg3[%mul3A_2] : memref<4096xi32, #tpu.memory_space<hbm>> -> memref<128xi32, #tpu.memory_space<hbm>>
      tpu.wait_dma2 semaphore(%run_scoped3A : memref<!tpu.dma_semaphore, #tpu.memory_space<semaphore_mem>>) src(%dma_wait3A_72 : memref<128xi32, #tpu.memory_space<hbm>>) dst(%arg6 : memref<128xi32, #tpu.memory_space<vmem>>)
      tpu.yield
    }) : () -> ()
    "tpu.region"() ({
      %run_scoped3A = tpu.sem_alloc : memref<!tpu.dma_semaphore, #tpu.memory_space<semaphore_mem>>
      %dma_start3A = arith.constant 0 : i32
      %dma_start3A_71 = tpu.memref_slice %arg2[%dma_start3A, %mul3A_2] : memref<1000x4096xf32, #tpu.memory_space<hbm>> -> memref<1000x128xf32, #tpu.memory_space<hbm>>
      %dma_start3A_72 = arith.constant 0 : i32
      %dma_start3A_73 = tpu.memref_slice %arg2[%dma_start3A_72, %mul3A_2] : memref<1000x4096xf32, #tpu.memory_space<hbm>> -> memref<1000x128xf32, #tpu.memory_space<hbm>>
      tpu.enqueue_dma source(%dma_start3A_73 : memref<1000x128xf32, #tpu.memory_space<hbm>>) target(%arg5 : memref<1000x128xf32, #tpu.memory_space<vmem>>) target_semaphore(%run_scoped3A : memref<!tpu.dma_semaphore, #tpu.memory_space<semaphore_mem>>)
      %dma_wait3A = arith.constant 0 : i32
      %dma_wait3A_74 = tpu.memref_slice %arg2[%dma_wait3A, %mul3A_2] : memref<1000x4096xf32, #tpu.memory_space<hbm>> -> memref<1000x128xf32, #tpu.memory_space<hbm>>
      %dma_wait3A_75 = arith.constant 0 : i32
      %dma_wait3A_76 = tpu.memref_slice %arg2[%dma_wait3A_75, %mul3A_2] : memref<1000x4096xf32, #tpu.memory_space<hbm>> -> memref<1000x128xf32, #tpu.memory_space<hbm>>
      tpu.wait_dma2 semaphore(%run_scoped3A : memref<!tpu.dma_semaphore, #tpu.memory_space<semaphore_mem>>) src(%dma_wait3A_76 : memref<1000x128xf32, #tpu.memory_space<hbm>>) dst(%arg5 : memref<1000x128xf32, #tpu.memory_space<vmem>>)
      tpu.yield
    }) : () -> ()
    %get3A = arith.constant 0 : index
    %get3A_3 = tpu.vector_load %arg6[%get3A] {strides = array<i32>} : memref<128xi32, #tpu.memory_space<vmem>>, vector<16xi32>,
    %iota3A = tpu.iota {dimensions = array<i32: 0>} : vector<16xi32>
    %add3A_4 = arith.constant 0 : i32
    %add3A_5 = vector.broadcast %add3A_4 : i32 to vector<16xi32>
    %add3A_6 = arith.addi %add3A_5, %iota3A : vector<16xi32>
    %gather3A = tpu.vector_load_idx %arg5[%get3A_3, %add3A_6] : memref<1000x128xf32, #tpu.memory_space<vmem>>[vector<16xi32>, vector<16xi32>], vector<16xf32>,
    %swap3A = arith.constant 0 : index
    %swap3A_7 = tpu.vector_load %arg7[%swap3A] {strides = array<i32>} : memref<128xf32, #tpu.memory_space<vmem>>, vector<16xf32>,
    tpu.vector_store %arg7[%swap3A], %gather3A {strides = array<i32>} : memref<128xf32, #tpu.memory_space<vmem>>, vector<16xf32>,
    %get3A_8 = arith.constant 16 : index
    %get3A_9 = tpu.vector_load %arg6[%get3A_8] {strides = array<i32>} : memref<128xi32, #tpu.memory_space<vmem>>, vector<16xi32>,
    %iota3A_10 = tpu.iota {dimensions = array<i32: 0>} : vector<16xi32>
    %add3A_11 = arith.constant 16 : i32
    %add3A_12 = vector.broadcast %add3A_11 : i32 to vector<16xi32>
    %add3A_13 = arith.addi %add3A_12, %iota3A_10 : vector<16xi32>
    %gather3A_14 = tpu.vector_load_idx %arg5[%get3A_9, %add3A_13] : memref<1000x128xf32, #tpu.memory_space<vmem>>[vector<16xi32>, vector<16xi32>], vector<16xf32>,
    %swap3A_15 = arith.constant 16 : index
    %swap3A_16 = tpu.vector_load %arg7[%swap3A_15] {strides = array<i32>} : memref<128xf32, #tpu.memory_space<vmem>>, vector<16xf32>,
    tpu.vector_store %arg7[%swap3A_15], %gather3A_14 {strides = array<i32>} : memref<128xf32, #tpu.memory_space<vmem>>, vector<16xf32>,
    %get3A_17 = arith.constant 32 : index
    %get3A_18 = tpu.vector_load %arg6[%get3A_17] {strides = array<i32>} : memref<128xi32, #tpu.memory_space<vmem>>, vector<16xi32>,
    %iota3A_19 = tpu.iota {dimensions = array<i32: 0>} : vector<16xi32>
    %add3A_20 = arith.constant 32 : i32
    %add3A_21 = vector.broadcast %add3A_20 : i32 to vector<16xi32>
    %add3A_22 = arith.addi %add3A_21, %iota3A_19 : vector<16xi32>
    %gather3A_23 = tpu.vector_load_idx %arg5[%get3A_18, %add3A_22] : memref<1000x128xf32, #tpu.memory_space<vmem>>[vector<16xi32>, vector<16xi32>], vector<16xf32>,
    %swap3A_24 = arith.constant 32 : index
    %swap3A_25 = tpu.vector_load %arg7[%swap3A_24] {strides = array<i32>} : memref<128xf32, #tpu.memory_space<vmem>>, vector<16xf32>,
    tpu.vector_store %arg7[%swap3A_24], %gather3A_23 {strides = array<i32>} : memref<128xf32, #tpu.memory_space<vmem>>, vector<16xf32>,
    %get3A_26 = arith.constant 48 : index
    %get3A_27 = tpu.vector_load %arg6[%get3A_26] {strides = array<i32>} : memref<128xi32, #tpu.memory_space<vmem>>, vector<16xi32>,
    %iota3A_28 = tpu.iota {dimensions = array<i32: 0>} : vector<16xi32>
    %add3A_29 = arith.constant 48 : i32
    %add3A_30 = vector.broadcast %add3A_29 : i32 to vector<16xi32>
    %add3A_31 = arith.addi %add3A_30, %iota3A_28 : vector<16xi32>
    %gather3A_32 = tpu.vector_load_idx %arg5[%get3A_27, %add3A_31] : memref<1000x128xf32, #tpu.memory_space<vmem>>[vector<16xi32>, vector<16xi32>], vector<16xf32>,
    %swap3A_33 = arith.constant 48 : index
    %swap3A_34 = tpu.vector_load %arg7[%swap3A_33] {strides = array<i32>} : memref<128xf32, #tpu.memory_space<vmem>>, vector<16xf32>,
    tpu.vector_store %arg7[%swap3A_33], %gather3A_32 {strides = array<i32>} : memref<128xf32, #tpu.memory_space<vmem>>, vector<16xf32>,
    %get3A_35 = arith.constant 64 : index
    %get3A_36 = tpu.vector_load %arg6[%get3A_35] {strides = array<i32>} : memref<128xi32, #tpu.memory_space<vmem>>, vector<16xi32>,
    %iota3A_37 = tpu.iota {dimensions = array<i32: 0>} : vector<16xi32>
    %add3A_38 = arith.constant 64 : i32
    %add3A_39 = vector.broadcast %add3A_38 : i32 to vector<16xi32>
    %add3A_40 = arith.addi %add3A_39, %iota3A_37 : vector<16xi32>
    %gather3A_41 = tpu.vector_load_idx %arg5[%get3A_36, %add3A_40] : memref<1000x128xf32, #tpu.memory_space<vmem>>[vector<16xi32>, vector<16xi32>], vector<16xf32>,
    %swap3A_42 = arith.constant 64 : index
    %swap3A_43 = tpu.vector_load %arg7[%swap3A_42] {strides = array<i32>} : memref<128xf32, #tpu.memory_space<vmem>>, vector<16xf32>,
    tpu.vector_store %arg7[%swap3A_42], %gather3A_41 {strides = array<i32>} : memref<128xf32, #tpu.memory_space<vmem>>, vector<16xf32>,
    %get3A_44 = arith.constant 80 : index
    %get3A_45 = tpu.vector_load %arg6[%get3A_44] {strides = array<i32>} : memref<128xi32, #tpu.memory_space<vmem>>, vector<16xi32>,
    %iota3A_46 = tpu.iota {dimensions = array<i32: 0>} : vector<16xi32>
    %add3A_47 = arith.constant 80 : i32
    %add3A_48 = vector.broadcast %add3A_47 : i32 to vector<16xi32>
    %add3A_49 = arith.addi %add3A_48, %iota3A_46 : vector<16xi32>
    %gather3A_50 = tpu.vector_load_idx %arg5[%get3A_45, %add3A_49] : memref<1000x128xf32, #tpu.memory_space<vmem>>[vector<16xi32>, vector<16xi32>], vector<16xf32>,
    %swap3A_51 = arith.constant 80 : index
    %swap3A_52 = tpu.vector_load %arg7[%swap3A_51] {strides = array<i32>} : memref<128xf32, #tpu.memory_space<vmem>>, vector<16xf32>,
    tpu.vector_store %arg7[%swap3A_51], %gather3A_50 {strides = array<i32>} : memref<128xf32, #tpu.memory_space<vmem>>, vector<16xf32>,
    %get3A_53 = arith.constant 96 : index
    %get3A_54 = tpu.vector_load %arg6[%get3A_53] {strides = array<i32>} : memref<128xi32, #tpu.memory_space<vmem>>, vector<16xi32>,
    %iota3A_55 = tpu.iota {dimensions = array<i32: 0>} : vector<16xi32>
    %add3A_56 = arith.constant 96 : i32
    %add3A_57 = vector.broadcast %add3A_56 : i32 to vector<16xi32>
    %add3A_58 = arith.addi %add3A_57, %iota3A_55 : vector<16xi32>
    %gather3A_59 = tpu.vector_load_idx %arg5[%get3A_54, %add3A_58] : memref<1000x128xf32, #tpu.memory_space<vmem>>[vector<16xi32>, vector<16xi32>], vector<16xf32>,
    %swap3A_60 = arith.constant 96 : index
    %swap3A_61 = tpu.vector_load %arg7[%swap3A_60] {strides = array<i32>} : memref<128xf32, #tpu.memory_space<vmem>>, vector<16xf32>,
    tpu.vector_store %arg7[%swap3A_60], %gather3A_59 {strides = array<i32>} : memref<128xf32, #tpu.memory_space<vmem>>, vector<16xf32>,
    %get3A_62 = arith.constant 112 : index
    %get3A_63 = tpu.vector_load %arg6[%get3A_62] {strides = array<i32>} : memref<128xi32, #tpu.memory_space<vmem>>, vector<16xi32>,
    %iota3A_64 = tpu.iota {dimensions = array<i32: 0>} : vector<16xi32>
    %add3A_65 = arith.constant 112 : i32
    %add3A_66 = vector.broadcast %add3A_65 : i32 to vector<16xi32>
    %add3A_67 = arith.addi %add3A_66, %iota3A_64 : vector<16xi32>
    %gather3A_68 = tpu.vector_load_idx %arg5[%get3A_63, %add3A_67] : memref<1000x128xf32, #tpu.memory_space<vmem>>[vector<16xi32>, vector<16xi32>], vector<16xf32>,
    %swap3A_69 = arith.constant 112 : index
    %swap3A_70 = tpu.vector_load %arg7[%swap3A_69] {strides = array<i32>} : memref<128xf32, #tpu.memory_space<vmem>>, vector<16xf32>,
    tpu.vector_store %arg7[%swap3A_69], %gather3A_68 {strides = array<i32>} : memref<128xf32, #tpu.memory_space<vmem>>, vector<16xf32>,
    "tpu.region"() ({
      %run_scoped3A = tpu.sem_alloc : memref<!tpu.dma_semaphore, #tpu.memory_space<semaphore_mem>>
      %dma_start3A = tpu.memref_slice %arg4[%mul3A_2] : memref<4096xf32, #tpu.memory_space<hbm>> -> memref<128xf32, #tpu.memory_space<hbm>>
      %dma_start3A_71 = tpu.memref_slice %arg4[%mul3A_2] : memref<4096xf32, #tpu.memory_space<hbm>> -> memref<128xf32, #tpu.memory_space<hbm>>
      tpu.enqueue_dma source(%arg7 : memref<128xf32, #tpu.memory_space<vmem>>) target(%dma_start3A_71 : memref<128xf32, #tpu.memory_space<hbm>>) target_semaphore(%run_scoped3A : memref<!tpu.dma_semaphore, #tpu.memory_space<semaphore_mem>>)
      %dma_wait3A = tpu.memref_slice %arg4[%mul3A_2] : memref<4096xf32, #tpu.memory_space<hbm>> -> memref<128xf32, #tpu.memory_space<hbm>>
      %dma_wait3A_72 = tpu.memref_slice %arg4[%mul3A_2] : memref<4096xf32, #tpu.memory_space<hbm>> -> memref<128xf32, #tpu.memory_space<hbm>>
      tpu.wait_dma2 semaphore(%run_scoped3A : memref<!tpu.dma_semaphore, #tpu.memory_space<semaphore_mem>>) src(%arg7 : memref<128xf32, #tpu.memory_space<vmem>>) dst(%dma_wait3A_72 : memref<128xf32, #tpu.memory_space<hbm>>)
      tpu.yield
    }) : () -> ()
    return
  }
}

module attributes {stable_mosaic.version = 14 : i64} {
  func.func @body(%arg0: i32, %arg1: memref<1000x1024xf32, #tpu.memory_space<vmem>>, %arg2: memref<1x1024xi32, #tpu.memory_space<vmem>>, %arg3: memref<1x1024xf32, #tpu.memory_space<vmem>>, %arg4: memref<1x1024xf32, #tpu.memory_space<vmem>>, %arg5: memref<1x1024xf32, #tpu.memory_space<vmem>>) attributes {dimension_semantics = [#tpu.dimension_semantics<arbitrary>], iteration_bounds = array<i64: 4>, scalar_prefetch = 0 : i64, scratch_operands = 0 : i64, tpu.core_type = #tpu.core_type<tc>, window_params = [{transform_indices = @transform_0, window_bounds = array<i64: 1000, 1024>}, {transform_indices = @transform_1, window_bounds = array<i64: 1, 1024>}, {transform_indices = @transform_2, window_bounds = array<i64: 1, 1024>}, {transform_indices = @transform_3, window_bounds = array<i64: 1, 1024>}, {transform_indices = @transform_4, window_bounds = array<i64: 1, 1024>}]} {
    %get3A = arith.constant 0 : index
    %get3A_0 = arith.constant 0 : index
    %get3A_1 = vector.load %arg1[%get3A, %get3A_0] : memref<1000x1024xf32, #tpu.memory_space<vmem>>, vector<1000x1024xf32>
    %get3A_2 = arith.constant 0 : index
    %get3A_3 = arith.constant 0 : index
    %get3A_4 = vector.load %arg2[%get3A_2, %get3A_3] : memref<1x1024xi32, #tpu.memory_space<vmem>>, vector<1x1024xi32>
    %iota3A = tpu.iota {dimensions = array<i32: 0>} : vector<1000x1024xi32>
    %eq3A = vector.broadcast %get3A_4 : vector<1x1024xi32> to vector<1000x1024xi32>
    %eq3A_5 = arith.cmpi eq, %iota3A, %eq3A : vector<1000x1024xi32>
    %reduce_max3A = arith.constant dense<0xFF800000> : vector<1024xf32>
    %reduce_max3A_6 = vector.multi_reduction <maximumf>, %get3A_1, %reduce_max3A [0] : vector<1000x1024xf32> to vector<1024xf32>
    %broadcast_in_dim3A = vector.shape_cast %reduce_max3A_6 : vector<1024xf32> to vector<1x1024xf32>
    %swap3A = arith.constant 0 : index
    %swap3A_7 = arith.constant 0 : index
    %swap3A_8 = vector.load %arg3[%swap3A, %swap3A_7] : memref<1x1024xf32, #tpu.memory_space<vmem>>, vector<1x1024xf32>
    tpu.vector_store %arg3[%swap3A, %swap3A_7], %broadcast_in_dim3A {strides = array<i32>} : memref<1x1024xf32, #tpu.memory_space<vmem>>, vector<1x1024xf32>,
    %sub3A = vector.broadcast %broadcast_in_dim3A : vector<1x1024xf32> to vector<1000x1024xf32>
    %sub3A_9 = arith.subf %get3A_1, %sub3A : vector<1000x1024xf32>
    %exp3A = math.exp %sub3A_9 : vector<1000x1024xf32>
    %reduce_sum3A = arith.constant dense<0.000000e+00> : vector<1024xf32>
    %reduce_sum3A_10 = vector.multi_reduction <add>, %exp3A, %reduce_sum3A [0] : vector<1000x1024xf32> to vector<1024xf32>
    %broadcast_in_dim3A_11 = vector.shape_cast %reduce_sum3A_10 : vector<1024xf32> to vector<1x1024xf32>
    %swap3A_12 = arith.constant 0 : index
    %swap3A_13 = arith.constant 0 : index
    %swap3A_14 = vector.load %arg4[%swap3A_12, %swap3A_13] : memref<1x1024xf32, #tpu.memory_space<vmem>>, vector<1x1024xf32>
    tpu.vector_store %arg4[%swap3A_12, %swap3A_13], %broadcast_in_dim3A_11 {strides = array<i32>} : memref<1x1024xf32, #tpu.memory_space<vmem>>, vector<1x1024xf32>,
    %jit3A = arith.constant 0.000000e+00 : f32
    %broadcast_in_dim3A_15 = vector.broadcast %jit3A : f32 to vector<1000x1024xf32>
    %select_n3A = arith.select %eq3A_5, %get3A_1, %broadcast_in_dim3A_15 : vector<1000x1024xi1>, vector<1000x1024xf32>
    %reduce_sum3A_16 = arith.constant dense<0.000000e+00> : vector<1024xf32>
    %reduce_sum3A_17 = vector.multi_reduction <add>, %select_n3A, %reduce_sum3A_16 [0] : vector<1000x1024xf32> to vector<1024xf32>
    %broadcast_in_dim3A_18 = vector.shape_cast %reduce_sum3A_17 : vector<1024xf32> to vector<1x1024xf32>
    %swap3A_19 = arith.constant 0 : index
    %swap3A_20 = arith.constant 0 : index
    %swap3A_21 = vector.load %arg5[%swap3A_19, %swap3A_20] : memref<1x1024xf32, #tpu.memory_space<vmem>>, vector<1x1024xf32>
    tpu.vector_store %arg5[%swap3A_19, %swap3A_20], %broadcast_in_dim3A_18 {strides = array<i32>} : memref<1x1024xf32, #tpu.memory_space<vmem>>, vector<1x1024xf32>,
    return
  }
  func.func @transform_0(%arg0: i32) -> (i32, i32) {
    %c0_i32 = arith.constant 0 : i32
    %c0_i32_0 = arith.constant 0 : i32
    return %c0_i32, %arg0 : i32, i32
  }
  func.func @transform_1(%arg0: i32) -> (i32, i32) {
    %c0_i32 = arith.constant 0 : i32
    %c0_i32_0 = arith.constant 0 : i32
    return %c0_i32, %arg0 : i32, i32
  }
  func.func @transform_2(%arg0: i32) -> (i32, i32) {
    %c0_i32 = arith.constant 0 : i32
    %c0_i32_0 = arith.constant 0 : i32
    return %c0_i32, %arg0 : i32, i32
  }
  func.func @transform_3(%arg0: i32) -> (i32, i32) {
    %c0_i32 = arith.constant 0 : i32
    %c0_i32_0 = arith.constant 0 : i32
    return %c0_i32, %arg0 : i32, i32
  }
  func.func @transform_4(%arg0: i32) -> (i32, i32) {
    %c0_i32 = arith.constant 0 : i32
    %c0_i32_0 = arith.constant 0 : i32
    return %c0_i32, %arg0 : i32, i32
  }
}

module attributes {stable_mosaic.version = 14 : i64} {
  func.func @body(%arg0: memref<1x4096xf32, #tpu.memory_space<vmem>>, %arg1: memref<1x4096xf32, #tpu.memory_space<vmem>>, %arg2: memref<1x4096xf32, #tpu.memory_space<vmem>>, %arg3: memref<4096xf32, #tpu.memory_space<vmem>>, %arg4: memref<1x1xf32, #tpu.memory_space<vmem>>) attributes {dimension_semantics = [], scalar_prefetch = 0 : i64, scratch_operands = 0 : i64, tpu.core_type = #tpu.core_type<tc>} {
    %get3A = arith.constant 0 : index
    %get3A_0 = arith.constant 0 : index
    %get3A_1 = vector.load %arg0[%get3A, %get3A_0] : memref<1x4096xf32, #tpu.memory_space<vmem>>, vector<1x4096xf32>
    %get3A_2 = arith.constant 0 : index
    %get3A_3 = arith.constant 0 : index
    %get3A_4 = vector.load %arg1[%get3A_2, %get3A_3] : memref<1x4096xf32, #tpu.memory_space<vmem>>, vector<1x4096xf32>
    %get3A_5 = arith.constant 0 : index
    %get3A_6 = arith.constant 0 : index
    %get3A_7 = vector.load %arg2[%get3A_5, %get3A_6] : memref<1x4096xf32, #tpu.memory_space<vmem>>, vector<1x4096xf32>
    %get3A_8 = arith.constant 0 : index
    %get3A_9 = vector.load %arg3[%get3A_8] : memref<4096xf32, #tpu.memory_space<vmem>>, vector<4096xf32>
    %reshape3A = vector.shape_cast %get3A_9 : vector<4096xf32> to vector<1x4096xf32>
    %max3A = arith.maximumf %get3A_1, %reshape3A : vector<1x4096xf32>
    %sub3A = arith.subf %get3A_1, %max3A : vector<1x4096xf32>
    %exp3A = math.exp %sub3A : vector<1x4096xf32>
    %mul3A = arith.mulf %get3A_4, %exp3A : vector<1x4096xf32>
    %sub3A_10 = arith.subf %get3A_7, %max3A : vector<1x4096xf32>
    %exp3A_11 = math.exp %sub3A_10 : vector<1x4096xf32>
    %sub3A_12 = arith.subf %mul3A, %exp3A_11 : vector<1x4096xf32>
    %sub3A_13 = arith.subf %reshape3A, %max3A : vector<1x4096xf32>
    %exp3A_14 = math.exp %sub3A_13 : vector<1x4096xf32>
    %add3A = arith.addf %sub3A_12, %exp3A_14 : vector<1x4096xf32>
    %log3A = math.log %add3A : vector<1x4096xf32>
    %add3A_15 = arith.addf %max3A, %log3A : vector<1x4096xf32>
    %sub3A_16 = arith.subf %add3A_15, %reshape3A : vector<1x4096xf32>
    %reduce_sum3A = vector.shape_cast %sub3A_16 : vector<1x4096xf32> to vector<1x1x4096xf32>
    %reduce_sum3A_17 = arith.constant dense<0.000000e+00> : vector<1xf32>
    %reduce_sum3A_18 = vector.multi_reduction <add>, %reduce_sum3A, %reduce_sum3A_17 [1, 2] : vector<1x1x4096xf32> to vector<1xf32>
    %reduce_sum3A_19 = vector.shape_cast %reduce_sum3A_18 : vector<1xf32> to vector<1x1x1xf32>
    %reduce_sum3A_20 = vector.extract %reduce_sum3A_19[0, 0, 0] : f32 from vector<1x1x1xf32>
    %broadcast_in_dim3A = vector.broadcast %reduce_sum3A_20 : f32 to vector<1x1xf32>
    %div3A = arith.constant 4.096000e+03 : f32
    %div3A_21 = vector.broadcast %div3A : f32 to vector<1x1xf32>
    %div3A_22 = arith.divf %broadcast_in_dim3A, %div3A_21 : vector<1x1xf32>
    %swap3A = arith.constant 0 : index
    %swap3A_23 = arith.constant 0 : index
    %swap3A_24 = vector.load %arg4[%swap3A, %swap3A_23] : memref<1x1xf32, #tpu.memory_space<vmem>>, vector<1x1xf32>
    tpu.vector_store %arg4[%swap3A, %swap3A_23], %div3A_22 {strides = array<i32>} : memref<1x1xf32, #tpu.memory_space<vmem>>, vector<1x1xf32>,
    return
  }
}

</mosaic_0001>

<sc_bundles>
// kernel: kernel.5.cloned.1.call-start
scs
__scs_entry_jumppad:
0x0: {  	(pc) =	sbr.rel $0x88, $3  }
0x1: {  	(tag) =	ssettag $0x0;
	lr =	simm.s32 $0x1  }
0x2: {  	[smem:$0x3F9E] =	sst lr;
	_ =	strace $0xD0000000  }
0x3: {  	_ = 	snop  }
0x4: {  	_ = 	snop  }
0x5: {  	_ = 	snop  }
0x6: {  	_ = 	snop  }
0x7: {  	_ = 	snop  }
__scs_overlays_trampoline_lowered:
0x8: {  	[smem:$0x3FAD] =	sst s0  }
0x9: {  	[smem:$0x3FAE] =	sst s1  }
0xa: {  	[smem:$0x3FAF] =	sst s2  }
0xb: {  	[smem:$0x3FB0] =	sst s3  }
0xc: {  	[smem:$0x3FB1] =	sst s4  }
0xd: {  	[smem:$0x3FB2] =	sst s5  }
0xe: {  	[smem:$0x3FB3] =	sst s6  }
0xf: {  	[smem:$0x3FB4] =	sst s7  }
0x10: {  	[smem:$0x3FB5] =	sst s8  }
0x11: {  	[smem:$0x3FB6] =	sst s9;
	s0 =	simm.s32 @!p0 $0x0  }
0x12: {  	s1 =	sld [smem:$0x3F9C];
	s0 =	simm.s32 @p0 $0x1  }
0x13: {  	[smem:$0x3FB7] =	sst s0;
	s0 =	simm.s32 @!p1 $0x0  }
0x14: {  	s2 =	sld [smem:$0x3F9B];
	s0 =	simm.s32 @p1 $0x1  }
0x15: {  	[smem:$0x3FB8] =	sst s0;
	s0 =	simm.s32 @!p2 $0x0  }
0x16: {  	s3 =	sld [smem:$0x3FDB];
	s0 =	simm.s32 @p2 $0x1  }
0x17: {  	s4 =	simm.s32 $0x1BF5;
	[smem:$0x3FBA] =	sst s0  }
0x18: {  	s0 =	sld [smem:$0x3F9D];
	_ =	swait.ge [sflag:s4], $0x0  }
0x19: {  	s7 =	sld [smem:$0x3F9E]  }
0x1a: {  	s8 =	sadd.s32 $0xFFFFE003, lr  }
0x1b: {  	s9 =	sadd.s32 $0xFFFFFEF7, lr;
	s5 =	simm.s32 $0xFFFFFFFF;
	p2 =	slt.u32 s8, $0xFFFFF086  }
0x1c: {  	p1 =	slt.u32 s9, $0xF7A;
	s5 =	simm.s32 @!p2 $0x0  }
0x1d: {  	s5 =	simm.s32 @p1 $0x1;
	p0 =	seq.s32 s7, s2  }
0x1e: {  	s7 =	smul.u32 @!p0 $0xF7A, s2;
	p2 =	seq.s32 @!p0 s5, $0x0  }
0x1f: {  	s9 =	smul.u32 $0xF7A, s1;
	s8 =	simm.s32 @!p0 $0x1BF5;
	p2 =	por !p2, p0  }
0x20: {  	[sflag:s8] =	ssyncset.s32 @!p0 $0xFFFFF086;
	s6 =	sadd.s32 @!p0 s3, s7;
	s7 =	simm.s32 @!p0 $0x108  }
0x21: {  	s3 =	sadd.s32 s3, s9;
	s6 =	sadd.s32 @!p0 $0x88, s6;
	s7 =	simm.s32 @p2 $0x1082  }
0x22: {  	[simem:s7], [sflag:s8] =	dma.local @!p0 [hbm:s6], $0xF7A  }
0x23: {  	s9 =	sor.u32 $0xD0000000, s2;
	s6 =	simm.s32 $0x108;
	_ =	swait.ge @!p0 [sflag:s8], $0x0  }
0x24: {  	s3 =	sadd.s32 $0x88, s3;
	s6 =	simm.s32 @!p1 $0x1082;
	[sflag:s4] =	ssyncset.s32 $0xFFFFF086  }
0x25: {  	[simem:s6], [sflag:s4] =	dma.local [hbm:s3], $0xF7A  }
0x26: {  	[smem:$0x3F9E] =	sst s1;
	(tag) =	ssettag s2;
	_ =	strace s9  }
0x27: {  	s1 =	sld [smem:$0x3FAE]  }
0x28: {  	s2 =	sld [smem:$0x3FAF]  }
0x29: {  	s4 =	sld [smem:$0x3FB1]  }
0x2a: {  	p0 =	seq.s32 s5, $0x0;
	s5 =	sld [smem:$0x3FB2]  }
0x2b: {  	s6 =	sld [smem:$0x3FB3]  }
0x2c: {  	s7 =	sld [smem:$0x3FB4]  }
0x2d: {  	s3 =	simm.s32 $0x108;
	s8 =	sld [smem:$0x3FB5]  }
0x2e: {  	s3 =	simm.s32 @!p0 $0x1082;
	s9 =	sld [smem:$0x3FB6]  }
0x2f: {  	lr =	sadd.s32 s0, s3;
	s0 =	sld [smem:$0x3FAD]  }
0x30: {  	s3 =	sld [smem:$0x3FB0]  }
0x31: {  	[smem:$0x3FB9] =	sst s10  }
0x32: {  	s10 =	sld [smem:$0x3FB7];
	_ =	sdelay $0x3  }
0x33: {  	p0 =	seq.s32 s10, $0x1;
	s10 =	sld [smem:$0x3FB9];
	_ =	sdelay $0x3  }
0x34: {  	[smem:$0x3FB9] =	sst s10  }
0x35: {  	s10 =	sld [smem:$0x3FB8];
	_ =	sdelay $0x3  }
0x36: {  	p1 =	seq.s32 s10, $0x1;
	s10 =	sld [smem:$0x3FB9];
	_ =	sdelay $0x3  }
0x37: {  	[smem:$0x3FB9] =	sst s10  }
0x38: {  	s10 =	sld [smem:$0x3FBA]  }
0x39: {  	_ = 	snop;
	(pc) =	sbr.ind lr, $3  }
0x3a: {  	_ = 	snop  }
0x3b: {  	_ = 	snop  }
0x3c: {  	p2 =	seq.s32 s10, $0x1;
	s10 =	sld [smem:$0x3FB9]  }
0x3d: {  	_ =	shalt  }
0x3e: {  	_ =	shalt  }
0x3f: {  	_ =	shalt  }
0x40: {  	_ =	shalt  }
0x41: {  	_ =	shalt  }
0x42: {  	_ =	shalt  }
0x43: {  	_ =	shalt  }
0x44: {  	_ =	shalt  }
0x45: {  	_ =	shalt  }
0x46: {  	_ =	shalt  }
0x47: {  	_ =	shalt  }
0x48: {  	_ =	shalt  }
0x49: {  	_ =	shalt  }
0x4a: {  	_ =	shalt  }
0x4b: {  	_ =	shalt  }
0x4c: {  	_ =	shalt  }
0x4d: {  	_ =	shalt  }
0x4e: {  	_ =	shalt  }
0x4f: {  	_ =	shalt  }
0x50: {  	_ =	shalt  }
0x51: {  	_ =	shalt  }
0x52: {  	_ =	shalt  }
0x53: {  	_ =	shalt  }
0x54: {  	_ =	shalt  }
0x55: {  	_ =	shalt  }
0x56: {  	_ =	shalt  }
0x57: {  	_ =	shalt  }
0x58: {  	_ =	shalt  }
0x59: {  	_ =	shalt  }
0x5a: {  	_ =	shalt  }
0x5b: {  	_ =	shalt  }
0x5c: {  	_ =	shalt  }
0x5d: {  	_ =	shalt  }
0x5e: {  	_ =	shalt  }
0x5f: {  	_ =	shalt  }
0x60: {  	_ =	shalt  }
0x61: {  	_ =	shalt  }
0x62: {  	_ =	shalt  }
0x63: {  	_ =	shalt  }
0x64: {  	_ =	shalt  }
0x65: {  	_ =	shalt  }
0x66: {  	_ =	shalt  }
0x67: {  	_ =	shalt  }
0x68: {  	_ =	shalt  }
0x69: {  	_ =	shalt  }
0x6a: {  	_ =	shalt  }
0x6b: {  	_ =	shalt  }
0x6c: {  	_ =	shalt  }
0x6d: {  	_ =	shalt  }
0x6e: {  	_ =	shalt  }
0x6f: {  	_ =	shalt  }
0x70: {  	_ =	shalt  }
0x71: {  	_ =	shalt  }
0x72: {  	_ =	shalt  }
0x73: {  	_ =	shalt  }
0x74: {  	_ =	shalt  }
0x75: {  	_ =	shalt  }
0x76: {  	_ =	shalt  }
0x77: {  	_ =	shalt  }
0x78: {  	_ =	shalt  }
0x79: {  	_ =	shalt  }
0x7a: {  	_ =	shalt  }
0x7b: {  	_ =	shalt  }
0x7c: {  	_ =	shalt  }
0x7d: {  	_ =	shalt  }
0x7e: {  	_ =	shalt  }
0x7f: {  	_ =	shalt  }
0x80: {  	_ =	shalt  }
0x81: {  	_ =	shalt  }
0x82: {  	_ =	shalt  }
0x83: {  	_ =	shalt  }
0x84: {  	_ =	shalt  }
0x85: {  	_ =	shalt  }
0x86: {  	_ =	shalt  }
0x87: {  	_ =	shalt  }
.Lfunc_end0:
.L_simem_size_0:
called_computation_lowered:
.L_overlay_start_0:
0x88: {  	s2 =	sld [smem:$0x3FD9]  }
0x89: {  	s3 =	sld [smem:$0x3FFE];
	_ =	sdelay $0x1  }
0x8a: {  	s1 =	srdreg.scid  }
0x8b: {  	s0 =	sand.u32 $0x1, s1  }
0x8c: {  	s17 =	sshll.u32 s0, $0xA;
	s2 =	sadd.s32 s3, s2  }
0x8d: {  	s2 =	sadd.s32 s2, s17  }
0x8e: {  	[smem:$0x3FC5] =	sst s2  }
0x8f: {  	_ = 	snop  }
0x90: {  	s2 =	sld [smem:$0x3FC8]  }
0x91: {  	s18 =	sld [smem:$0x3FC7];
	(tm) =	ssettm $0x1  }
0x92: {  	s4 =	sld [smem:$0x3FFB];
	_ =	sdelay $0x3  }
0x93: {  	_ =	strace s4  }
0x94: {  	s4 =	sld [smem:$0x3FFC];
	_ =	sdelay $0x3  }
0x95: {  	_ =	strace s4  }
0x96: {  	s4 =	sld [smem:$0x3FFD];
	_ =	sdelay $0x3  }
0x97: {  	_ =	strace s4  }
0x98: {  	_ =	strace $0x8FFFFFFF  }
0x99: {  	s19 =	sld [smem:$0x3FDB];
	_ =	sdelay $0x1  }
0x9a: {  	s5 =	simm.s32 $_scs_section_size  }
0x9b: {  	s6 =	simm.s32 $_size__tile_overlayer_lowered;
	s7 =	simm.s32 $_tile_overlayer_lowered  }
0x9c: {  	s22 =	simm.s32 $0x1BFF;
	s21 =	sshll.u32 s7, $0x1;
	s4 =	sadd.s32 s5, s19  }
0x9d: {  	s8 =	simm.s32 $0x0;
	s20 =	sshll.u32 s6, $0x1;
	s6 =	sadd.s32 s21, s4  }
0x9e: {  	[timem:s8], [sflag:s22] =	dma.local [hbm:s6], s20  }
0x9f: {  	_ =	swait.ge [sflag:s22], s20  }
0xa0: {  	s5 =	ssub.s32 $0x0, s20;
	[sflag:s22] =	ssyncset.done $0x0  }
0xa1: {  	[sflag:s22] =	ssyncadd.s32 s5;
	_ =	sdelay $0x1  }
0xa2: {  	s23 =	simm.s32 $0x1B8B  }
0xa3: {  	_ =	swait.ge [sflag:s23], $0x1  }
0xa4: {  	[sflag:s23] =	ssyncset.done $0x0  }
0xa5: {  	s25 =	simm.s32 $0x1B8E;
	s24 =	sld [smem:$0x3FFE];
	[sflag:s23] =	ssyncadd.s32 $0xFFFFFFFF  }
0xa6: {  	s26 =	simm.s32 $execute0_lowered;
	[smem:$0x3FD2] =	sst s25  }
0xa7: {  	s6 =	sshll.u32 s26, $0x1;
	_ =	strace $0x80000046;
	[dreg:$0x1] =	wrdreg $0xFFFFFFFF  }
0xa8: {  	s28 =	simm.s32 $_size_execute0_lowered;
	s4 =	sadd.s32 s4, s6;
	[dreg:$0x0] =	wrdreg $0x0  }
0xa9: {  	s6 =	sshll.u32 s28, $0x1;
	[dreg:$0x2] =	wrdreg s4  }
0xaa: {  	[dreg:$0x3] =	wrdreg s6  }
0xab: {  	[dreg:$0x4] =	wrdreg $0xC0  }
0xac: {  	_ =	task [dreg:s8], $0x5FFFF  }
0xad: {  	[dreg:$0x1] =	wrdreg $0xFFFFFFFF  }
0xae: {  	[dreg:$0x0] =	wrdreg $0x60  }
0xaf: {  	[dreg:$0x2] =	wrdreg s2  }
0xb0: {  	[dreg:$0x3] =	wrdreg s18  }
0xb1: {  	[dreg:$0x4] =	wrdreg s24  }
0xb2: {  	[dreg:$0x5] =	wrdreg $0x9  }
0xb3: {  	_ =	task.clear_ibuf [dreg:s8], $0x6FFFF;
	_ =	strace $0x90000046  }
0xb4: {  	s29 =	simm.s32 $0x9;
	_ =	strace $0x80000048  }
0xb5: {  	_ =	swait.ge [sflag:s29], $0x1  }
0xb6: {  	[sflag:s29] =	ssyncadd.s32 $0xFFFFFFFF  }
0xb7: {  	_ =	strace $0x90000048  }
0xb8: {  	_ =	sfence  }
0xb9: {  	s30 =	sld [smem:$0x0];
	_ =	sdelay $0x2  }
0xba: {  	s31 =	sshll.u32 s1, $0xD;
	s1 =	sshrl.u32 s1, $0x2  }
0xbb: {  	s3 =	sand.u32 $0x4000, s31;
	s1 =	sadd.s32 s1, s30  }
0xbc: {  	s0 =	sor.u32 s3, s0;
	s1 =	sshll.u32 s1, $0x11  }
0xbd: {  	s0 =	sor.u32 s1, s0  }
0xbe: {  	s0 =	sadd.s32 $0x8F2B, s0  }
0xbf: {  	[sflag:s0] =	ssyncadd.remote.s32 $0x1  }
0xc0: {  	_ =	sfence.sel $0xFFFF  }
0xc1: {  	[dreg:$0x0] =	wrdreg $0xFFFFFFFF;
	(pc) =	sbr.abs _section_cstart, $3  }
0xc2: {  	[dreg:$0x1] =	wrdreg $0xFFFFFFFF  }
0xc3: {  	_ =	task.clear_ibuf [dreg:s8], $0x2FFFF;
	_ =	strace $0x9FFFFFFF  }
0xc4: {  	(tm) =	ssettm $0x7FFFFFFF  }
0xc5: {  	_ =	shalt  }
tec
execute0_lowered:
.L_overlay_start_1:
0x0: {  	(tag) =	ssettag $0x1  }
0x1: {  	s6 =	rddreg [dreg:$0x0]  }
0x2: {  	s3 =	rddreg [dreg:$0x1]  }
0x3: {  	s4 =	srdreg.scid;
	s1 =	stileid.u32  }
0x4: {  	s9 =	rddreg [dreg:$0x2];
	s10 =	sand.u32 $0x1, s4;
	s30 =	sshll.u32 s1, $0x1  }
0x5: {  	s0 =	rddreg [dreg:$0x3];
	s2 =	simm.s32 $0x0;
	s7 =	sor.u32 s10, s30  }
0x6: {  	s5 =	simm.s32 $0x1F400;
	[smem:$0x7FF] =	sst s2;
	s11 =	sshll.u32 s7, $0x4  }
0x7: {  	s4 =	simm.s32 $0x1;
	_ =	strace $0x80000047;
	s3 =	sadd.s32 s3, s11  }
0x8: {  	[tilespmem:s5], [sflag:$0x1] =	stream.linear.gather [hbm4b:s3+s2], $0x80, $0x38;
	[tilespmem:$0x1F500] =	vst v63  }
0x9: {  	_ =	swait.ge [sflag:s4], $0x80  }
0xa: {  	s8 =	simm.s32 $0x8000;
	s7 =	sshll.u32 s7, $0x7;
	[sflag:s4] =	ssyncset.done $0x0  }
0xb: {  	s6 =	sadd.s32 s6, s7;
	s7 =	simm.s32 $0x400;
	[sflag:s4] =	ssyncadd.s32 $0xFFFFFF80  }
0xc: {  	[tilespmem:s2], [sflag:$0x1] =	stream.strided.gather [hbm4b:s6+s7], $0x1F400, s8, s7, $0x38;
	[tilespmem:$0x1F500] =	vst v63  }
0xd: {  	_ =	swait.ge [sflag:s4], $0x1F400  }
0xe: {  	[sflag:s4] =	ssyncset.done $0x0  }
0xf: {  	[sflag:s4] =	ssyncadd.s32 $0xFFFE0C00  }
0x10: {  	v1 =	vld [tilespmem:$0x1F400];
	_ =	sdelay $0x4  }
0x11: {  	v0 =	vlaneseq.u32;
	v1 =	vshll.u32 v1, $0x7  }
0x12: {  	v2 =	vld [tilespmem:$0x1F410];
	v3 =	vor.u32 v0, v1;
	_ =	sdelay $0x4  }
0x13: {  	v2 =	vshll.u32 v2, $0x7;
	v1 =	vor.u32 $0x10, v0;
	v3 =	vld.idx.msk [tilespmem:v3+s2+$0x0], $0xffff  }
0x14: {  	v4 =	vld [tilespmem:$0x1F420];
	v5 =	vor.u32 v1, v2;
	_ =	sdelay $0x3  }
0x15: {  	[tilespmem:$0x1F480] =	vst v3  }
0x16: {  	v2 =	vor.u32 $0x20, v0;
	v3 =	vshll.u32 v4, $0x7;
	v4 =	vld.idx.msk [tilespmem:v5+s2+$0x0], $0xffff  }
0x17: {  	v5 =	vld [tilespmem:$0x1F430];
	v6 =	vor.u32 v2, v3;
	_ =	sdelay $0x3  }
0x18: {  	[tilespmem:$0x1F490] =	vst v4  }
0x19: {  	v3 =	vor.u32 $0x30, v0;
	v4 =	vshll.u32 v5, $0x7;
	v5 =	vld.idx.msk [tilespmem:v6+s2+$0x0], $0xffff  }
0x1a: {  	v6 =	vld [tilespmem:$0x1F440];
	v7 =	vor.u32 v3, v4;
	_ =	sdelay $0x3  }
0x1b: {  	[tilespmem:$0x1F4A0] =	vst v5  }
0x1c: {  	v4 =	vor.u32 $0x40, v0;
	v5 =	vshll.u32 v6, $0x7;
	v6 =	vld.idx.msk [tilespmem:v7+s2+$0x0], $0xffff  }
0x1d: {  	v7 =	vld [tilespmem:$0x1F450];
	v8 =	vor.u32 v4, v5;
	_ =	sdelay $0x3  }
0x1e: {  	[tilespmem:$0x1F4B0] =	vst v6  }
0x1f: {  	v5 =	vor.u32 $0x50, v0;
	v6 =	vshll.u32 v7, $0x7;
	v7 =	vld.idx.msk [tilespmem:v8+s2+$0x0], $0xffff  }
0x20: {  	v8 =	vld [tilespmem:$0x1F460];
	v9 =	vor.u32 v5, v6;
	_ =	sdelay $0x3  }
0x21: {  	[tilespmem:$0x1F4C0] =	vst v7  }
0x22: {  	v6 =	vor.u32 $0x60, v0;
	v7 =	vshll.u32 v8, $0x7;
	v8 =	vld.idx.msk [tilespmem:v9+s2+$0x0], $0xffff  }
0x23: {  	v62 =	vld [tilespmem:$0x1F470];
	v10 =	vor.u32 v6, v7;
	_ =	sdelay $0x3  }
0x24: {  	[tilespmem:$0x1F4D0] =	vst v8  }
0x25: {  	v7 =	vor.u32 $0x70, v0;
	v8 =	vshll.u32 v62, $0x7;
	v63 =	vld.idx.msk [tilespmem:v10+s2+$0x0], $0xffff  }
0x26: {  	v8 =	vor.u32 v7, v8;
	_ =	sdelay $0x3  }
0x27: {  	s10 =	ssub.s32 $0x2, s10;
	[tilespmem:$0x1F4E0] =	vst v63  }
0x28: {  	s12 =	sshrl.u32 s10, $0x1;
	v8 =	vld.idx.msk [tilespmem:v8+s2+$0x0], $0xffff  }
0x29: {  	s10 =	ssub.s32 s10, s12  }
0x2a: {  	s31 =	smax.u32 s10, $0x1  }
0x2b: {  	p0 =	sne.s32 s31, $0x1  }
.Ltmp0:
0x2c: {  	s9 =	sadd.s32 s11, s9;
	(pc) =	sbr.rel @!p0 .LBB2_2-.Ltmp0, $4  }
0x2d: {  	s9 =	sadd.s32 $0xC00, s9;
	s10 =	simm.s32 $0x1F480;
	[tilespmem:$0x1F4F0] =	vst v8  }
0x2e: {  	[hbm4b:s9+s2] =	stream.linear.scatter [tilespmem:s10], [sflag:$0x1], $0x80, $0x38;
	[tilespmem:$0x1F500] =	vst v63  }
0x2f: {  	_ =	swait.ge [sflag:s4], $0x80  }
0x30: {  	s11 =	sadd.s32 $0xFFFFFFFF, s31;
	[sflag:s4] =	ssyncset.done $0x0  }
.LBB2_1:
0x31: {  	p0 =	sne.s32 s11, $0x1;
	s11 =	sadd.s32 $0xFFFFFFFF, s11;
	[sflag:s4] =	ssyncadd.s32 $0xFFFFFF80  }
0x32: {  	[tilespmem:s5], [sflag:$0x1] =	stream.linear.gather [hbm4b:s3+s2], $0x80, $0x38;
	[tilespmem:$0x1F500] =	vst v63  }
0x33: {  	_ =	swait.ge [sflag:s4], $0x80  }
0x34: {  	[sflag:s4] =	ssyncset.done $0x0  }
0x35: {  	[sflag:s4] =	ssyncadd.s32 $0xFFFFFF80  }
0x36: {  	[tilespmem:s2], [sflag:$0x1] =	stream.strided.gather [hbm4b:s6+s7], $0x1F400, s8, s7, $0x38;
	[tilespmem:$0x1F500] =	vst v63  }
0x37: {  	_ =	swait.ge [sflag:s4], $0x1F400  }
0x38: {  	[sflag:s4] =	ssyncset.done $0x0  }
0x39: {  	[sflag:s4] =	ssyncadd.s32 $0xFFFE0C00  }
0x3a: {  	v8 =	vld [tilespmem:$0x1F400]  }
0x3b: {  	v9 =	vld [tilespmem:$0x1F410]  }
0x3c: {  	v10 =	vld [tilespmem:$0x1F420]  }
0x3d: {  	v11 =	vld [tilespmem:$0x1F430]  }
0x3e: {  	v12 =	vld [tilespmem:$0x1F440]  }
0x3f: {  	v8 =	vshll.u32 v8, $0x7;
	v13 =	vld [tilespmem:$0x1F450]  }
0x40: {  	v8 =	vor.u32 v0, v8;
	v9 =	vshll.u32 v9, $0x7;
	v14 =	vld [tilespmem:$0x1F460]  }
0x41: {  	v10 =	vshll.u32 v10, $0x7;
	v15 =	vld [tilespmem:$0x1F470]  }
0x42: {  	v11 =	vshll.u32 v11, $0x7  }
0x43: {  	v12 =	vshll.u32 v12, $0x7  }
0x44: {  	v13 =	vshll.u32 v13, $0x7  }
0x45: {  	v8 =	vld.idx.msk [tilespmem:v8+s2+$0x0], $0xffff;
	v14 =	vshll.u32 v14, $0x7  }
0x46: {  	v15 =	vshll.u32 v15, $0x7  }
0x47: {  	v9 =	vor.u32 v1, v9;
	_ =	sdelay $0x3  }
0x48: {  	[tilespmem:$0x1F480] =	vst v8  }
0x49: {  	v8 =	vld.idx.msk [tilespmem:v9+s2+$0x0], $0xffff;
	_ =	sdelay $0x1  }
0x4a: {  	v9 =	vor.u32 v2, v10;
	_ =	sdelay $0x3  }
0x4b: {  	[tilespmem:$0x1F490] =	vst v8  }
0x4c: {  	v8 =	vld.idx.msk [tilespmem:v9+s2+$0x0], $0xffff;
	_ =	sdelay $0x1  }
0x4d: {  	v9 =	vor.u32 v3, v11;
	_ =	sdelay $0x3  }
0x4e: {  	[tilespmem:$0x1F4A0] =	vst v8  }
0x4f: {  	v8 =	vld.idx.msk [tilespmem:v9+s2+$0x0], $0xffff;
	_ =	sdelay $0x1  }
0x50: {  	v9 =	vor.u32 v4, v12;
	_ =	sdelay $0x3  }
0x51: {  	[tilespmem:$0x1F4B0] =	vst v8  }
0x52: {  	v8 =	vld.idx.msk [tilespmem:v9+s2+$0x0], $0xffff;
	_ =	sdelay $0x1  }
0x53: {  	v9 =	vor.u32 v5, v13;
	_ =	sdelay $0x3  }
0x54: {  	[tilespmem:$0x1F4C0] =	vst v8  }
0x55: {  	v8 =	vld.idx.msk [tilespmem:v9+s2+$0x0], $0xffff;
	_ =	sdelay $0x1  }
0x56: {  	v9 =	vor.u32 v6, v14;
	_ =	sdelay $0x3  }
0x57: {  	[tilespmem:$0x1F4D0] =	vst v8  }
0x58: {  	v8 =	vld.idx.msk [tilespmem:v9+s2+$0x0], $0xffff;
	_ =	sdelay $0x1  }
0x59: {  	v9 =	vor.u32 v7, v15;
	_ =	sdelay $0x3  }
0x5a: {  	[tilespmem:$0x1F4E0] =	vst v8  }
0x5b: {  	v8 =	vld.idx.msk [tilespmem:v9+s2+$0x0], $0xffff;
	_ =	sdelay $0x4  }
.Ltmp1:
0x5c: {  	(pc) =	sbr.rel @p0 .LBB2_1-.Ltmp1, $4  }
0x5d: {  	[tilespmem:$0x1F4F0] =	vst v8  }
0x5e: {  	[hbm4b:s9+s2] =	stream.linear.scatter [tilespmem:s10], [sflag:$0x1], $0x80, $0x38;
	[tilespmem:$0x1F500] =	vst v63  }
0x5f: {  	_ =	swait.ge [sflag:s4], $0x80  }
0x60: {  	[sflag:s4] =	ssyncset.done $0x0  }
.LBB2_2:
0x61: {  	[sflag:s4] =	ssyncadd.s32 $0xFFFFFF80  }
0x62: {  	_ =	sfence.sel $0x180000  }
0x63: {  	[bflag:$0x0] =	sbarrier.arrive $0xFFFF  }
0x64: {  	p0 =	sne.s32 s1, $0x0;
	_ =	strace $0x90000047  }
0x65: {  	s0 =	sadd.s32 @!p0 $0x100000, s0;
	[bflag:$0x2] =	sbarrier.arrive $0xFFFF  }
0x66: {  	[sflag:s0] =	ssyncadd.tile.s32 @!p0 $0x1;
	_ =	shalt  }
.Lfunc_end2:
_tile_overlayer_lowered:
.L_overlay_start_2:
0x67: {  	(tag) =	ssettag $0x2  }
0x68: {  	s0 =	rddreg [dreg:$0x0];
	s2 =	stileid.u32  }
0x69: {  	s1 =	rddreg [dreg:$0x1];
	p0 =	sne.s32 s2, $0x0  }
0x6a: {  	s3 =	rddreg [dreg:$0x2];
	[bflag:$0x3] =	sbarrier.arrive $0xFFFF;
	s2 =	simm.s32 @!p0 $0x1C01  }
0x6b: {  	[timem:s3], [sflag:s2] =	dma.local @!p0 [hbm:s0], s1  }
0x6c: {  	s0 =	simm.s32 @!p0 $0x1  }
0x6d: {  	_ =	swait.ge @!p0 [sflag:s0], s1  }
0x6e: {  	s1 =	ssub.s32 @!p0 $0x0, s1;
	[sflag:s0] =	ssyncset.done @!p0 $0x0  }
0x6f: {  	[sflag:s0] =	ssyncadd.s32 @!p0 s1  }
0x70: {  	[bflag:$0x3] =	sbarrier.arrive $0xFFFF  }
0x71: {  	_ =	shalt  }

</sc_bundles>
